<compile_context>
chip_gen: v7x
topology: tpu7x:2x2x1
jax: 0.10.2.dev20260603
libtpu: 0.0.44.dev20260713+nightly
codegen_flags: <defaults>
</compile_context>

<pallas_src>
import functools

import jax
import jax.numpy as jnp
from jax import lax
from jax.experimental import pallas as pl
from jax.experimental.pallas import tpu as pltpu
from jax.experimental.pallas import tpu_sc as plsc

_LANES = 16


def _mask_body(n_pad, frames_per_w, idx_hbm, mask_hbm, idx_v, mask_v):
    num_cores = 2
    wid = lax.axis_index("s") * num_cores + lax.axis_index("c")
    lo = wid * frames_per_w

    pltpu.sync_copy(idx_hbm, idx_v)

    zeros = jnp.zeros((_LANES,), jnp.int32)

    @plsc.parallel_loop(0, frames_per_w, step=_LANES, unroll=16)
    def _zero(i):
        mask_v[pl.ds(i, _LANES)] = zeros

    ones = jnp.ones((_LANES,), jnp.int32)

    @plsc.parallel_loop(0, n_pad, step=_LANES, unroll=16)
    def _scan(i):
        v = idx_v[pl.ds(i, _LANES)]
        rel = v - lo
        inb = (rel >= 0) & (rel < frames_per_w)
        relc = jnp.clip(rel, 0, frames_per_w - 1)
        plsc.store_scatter(mask_v, [relc], ones, mask=inb)

    pltpu.sync_copy(mask_v, mask_hbm.at[pl.ds(lo, frames_per_w)])


def _build_mask(idx_padded, t):
    n_pad = idx_padded.shape[0]
    num_workers = 32
    frames_per_w = t // num_workers
    mesh = plsc.VectorSubcoreMesh(core_axis_name="c", subcore_axis_name="s")
    return pl.kernel(
        functools.partial(_mask_body, n_pad, frames_per_w),
        out_type=jax.ShapeDtypeStruct((t,), jnp.int32),
        mesh=mesh,
        scratch_types=[
            pltpu.VMEM((n_pad,), jnp.int32),
            pltpu.VMEM((frames_per_w,), jnp.int32),
        ],
        compiler_params=pltpu.CompilerParams(needs_layout_passes=False),
    )(idx_padded)


def _apply_body(mask_ref, x_ref, o_ref):
    shape = x_ref.shape
    m = mask_ref[0, 0, :]
    lmk = lax.broadcasted_iota(jnp.int32, shape, 1)
    hand = (lmk >= 33) & (lmk < 54)
    sel = hand & (m != 0)[None, None, :]
    o_ref[...] = jnp.where(sel, jnp.float32(jnp.nan), x_ref[...])


def kernel(x, frame_indices):
    t, num_landmarks, coords = x.shape
    n = frame_indices.shape[0]

    chunk = _LANES * 16
    n_pad = ((n + chunk - 1) // chunk) * chunk
    if n_pad != n:
        idx_padded = jnp.concatenate(
            [frame_indices, jnp.broadcast_to(frame_indices[:1], (n_pad - n,))]
        )
    else:
        idx_padded = frame_indices

    mask = _build_mask(idx_padded, t)

    blk = 8192
    grid = t // blk
    xt = jnp.transpose(x, (2, 1, 0))
    out = pl.pallas_call(
        _apply_body,
        grid=(grid,),
        in_specs=[
            pl.BlockSpec((1, 1, blk), lambda i: (i, 0, 0)),
            pl.BlockSpec((coords, num_landmarks, blk), lambda i: (0, 0, i)),
        ],
        out_specs=pl.BlockSpec((coords, num_landmarks, blk), lambda i: (0, 0, i)),
        out_shape=jax.ShapeDtypeStruct((coords, num_landmarks, t), jnp.float32),
    )(mask.reshape(grid, 1, blk), xt)
    return jnp.transpose(out, (2, 1, 0))

# --- scband reference (transcript-rebuilt; emitter-appended) ---
"""Pipeline reference for scband-frame-hand-dropout-33191507264000 (READ-ONLY COPY).

The authoritative reference and input builder live on the scoring server;
editing this copy changes nothing except your own understanding.
"""

import jax, jax.numpy as jnp
import numpy as np

T = 131072
NUM_LANDMARKS = 75
COORDS = 3
DROP_RATIO = 0.1
NUM_FRAMES = int(np.floor(DROP_RATIO * T))  # 13107


def setup_inputs(seed: int = 0) -> dict:
    key = jax.random.key(seed)
    kx, ki = jax.random.split(key)
    x = jax.random.normal(kx, (T, NUM_LANDMARKS, COORDS), dtype=jnp.float32)
    # Deterministic stand-in for torch.randint(0, len(x), (num_frames,)):
    frame_indices = jax.random.randint(ki, (NUM_FRAMES,), 0, T, dtype=jnp.int32)
    return {"x": x, "frame_indices": frame_indices}


def reference(x, frame_indices):
    # Determinized FrameHandDropout.drop_hand: the p-gate and the left/right-hand
    # coin flip are fixed (drop branch taken, left hand chosen: indices 33..53).
    # This implements the *intended* in-place semantics: set the selected
    # hand landmarks of the selected frames to NaN via scatter-overwrite.
    hand_indices = jnp.arange(33, 54)
    out = x.at[frame_indices[:, None], hand_indices[None, :], :].set(jnp.nan)
    return out

if __name__ == "__main__":
    import jax
    _d = setup_inputs()
    print(jax.jit(kernel)(*tuple(_d.values())))

</pallas_src>

<mosaic_0001>
#map = affine_map<(d0, d1) -> (0)>
module attributes {stable_mosaic.version = 14 : i64} {
  func.func @_mask_body(%arg0: i32, %arg1: i32, %arg2: memref<13312xi32, #tpu.memory_space<hbm>>, %arg3: memref<131072xi32, #tpu.memory_space<hbm>>, %arg4: memref<13312xi32, #tpu.memory_space<vmem>>, %arg5: memref<4096xi32, #tpu.memory_space<vmem>>) attributes {dimension_semantics = [#tpu.dimension_semantics<core_parallel>, #tpu.dimension_semantics<subcore_parallel>], iteration_bounds = array<i64: 2, 16>, scalar_prefetch = 0 : i64, scratch_operands = 2 : i64, tpu.core_type = #tpu.core_type<sc_vector_subcore>, window_params = [{transform_indices = #map}, {transform_indices = #map}]} {
    %mul3A = arith.constant 2 : i32
    %mul3A_0 = arith.muli %arg1, %mul3A : i32
    %add3A = arith.addi %mul3A_0, %arg0 : i32
    %mul3A_1 = arith.constant 4096 : i32
    %mul3A_2 = arith.muli %add3A, %mul3A_1 : i32
    "tpu.region"() ({
      %run_scoped3A = tpu.sem_alloc : memref<!tpu.dma_semaphore, #tpu.memory_space<semaphore_mem>>
      tpu.enqueue_dma source(%arg2 : memref<13312xi32, #tpu.memory_space<hbm>>) target(%arg4 : memref<13312xi32, #tpu.memory_space<vmem>>) target_semaphore(%run_scoped3A : memref<!tpu.dma_semaphore, #tpu.memory_space<semaphore_mem>>)
      tpu.wait_dma2 semaphore(%run_scoped3A : memref<!tpu.dma_semaphore, #tpu.memory_space<semaphore_mem>>) src(%arg2 : memref<13312xi32, #tpu.memory_space<hbm>>) dst(%arg4 : memref<13312xi32, #tpu.memory_space<vmem>>)
      tpu.yield
    }) : () -> ()
    %broadcast_in_dim3A = arith.constant 0 : i32
    %broadcast_in_dim3A_3 = vector.broadcast %broadcast_in_dim3A : i32 to vector<16xi32>
    %parallel_loop3A = arith.constant 0 : i32
    %parallel_loop3A_4 = arith.constant 4096 : i32
    %parallel_loop3A_5 = arith.constant 16 : i32
    scf.for %parallel_loop3A_11 = %parallel_loop3A to %parallel_loop3A_4 step %parallel_loop3A_5  : i32 {
      %parallel_loop3A_12 = arith.index_cast %parallel_loop3A_11 : i32 to index
      %parallel_loop3A_13 = tpu.vector_load %arg5[%parallel_loop3A_12] {strides = array<i32>} : memref<4096xi32, #tpu.memory_space<vmem>>, vector<16xi32>,
      tpu.vector_store %arg5[%parallel_loop3A_12], %broadcast_in_dim3A_3 {strides = array<i32>} : memref<4096xi32, #tpu.memory_space<vmem>>, vector<16xi32>,
    } {sc.loop_unroll_factor = 16 : i64, sc.parallel_access}
    %broadcast_in_dim3A_6 = arith.constant 1 : i32
    %broadcast_in_dim3A_7 = vector.broadcast %broadcast_in_dim3A_6 : i32 to vector<16xi32>
    %parallel_loop3A_8 = arith.constant 0 : i32
    %parallel_loop3A_9 = arith.constant 13312 : i32
    %parallel_loop3A_10 = arith.constant 16 : i32
    scf.for %parallel_loop3A_11 = %parallel_loop3A_8 to %parallel_loop3A_9 step %parallel_loop3A_10  : i32 {
      %parallel_loop3A_12 = arith.index_cast %parallel_loop3A_11 : i32 to index
      %parallel_loop3A_13 = tpu.vector_load %arg4[%parallel_loop3A_12] {strides = array<i32>} : memref<13312xi32, #tpu.memory_space<vmem>>, vector<16xi32>,
      %parallel_loop3A_14 = vector.broadcast %mul3A_2 : i32 to vector<16xi32>
      %parallel_loop3A_15 = arith.subi %parallel_loop3A_13, %parallel_loop3A_14 : vector<16xi32>
      %parallel_loop3A_16 = arith.constant 0 : i32
      %parallel_loop3A_17 = vector.broadcast %parallel_loop3A_16 : i32 to vector<16xi32>
      %parallel_loop3A_18 = arith.cmpi sge, %parallel_loop3A_15, %parallel_loop3A_17 : vector<16xi32>
      %parallel_loop3A_19 = arith.constant 4096 : i32
      %parallel_loop3A_20 = vector.broadcast %parallel_loop3A_19 : i32 to vector<16xi32>
      %parallel_loop3A_21 = arith.cmpi slt, %parallel_loop3A_15, %parallel_loop3A_20 : vector<16xi32>
      %parallel_loop3A_22 = arith.andi %parallel_loop3A_18, %parallel_loop3A_21 : vector<16xi1>
      %parallel_loop3A_23 = arith.constant 0 : i32
      %parallel_loop3A_24 = arith.constant 4095 : i32
      %parallel_loop3A_25 = vector.broadcast %parallel_loop3A_23 : i32 to vector<16xi32>
      %parallel_loop3A_26 = arith.maxsi %parallel_loop3A_25, %parallel_loop3A_15 : vector<16xi32>
      %parallel_loop3A_27 = vector.broadcast %parallel_loop3A_24 : i32 to vector<16xi32>
      %parallel_loop3A_28 = arith.minsi %parallel_loop3A_27, %parallel_loop3A_26 : vector<16xi32>
      tpu.vector_store_idx %arg5[%parallel_loop3A_28], %broadcast_in_dim3A_7 masked %parallel_loop3A_22 : memref<4096xi32, #tpu.memory_space<vmem>>[vector<16xi32>], vector<16xi32>, vector<16xi1>
    } {sc.loop_unroll_factor = 16 : i64, sc.parallel_access}
    "tpu.region"() ({
      %run_scoped3A = tpu.sem_alloc : memref<!tpu.dma_semaphore, #tpu.memory_space<semaphore_mem>>
      %dma_start3A = tpu.memref_slice %arg3[%mul3A_2] : memref<131072xi32, #tpu.memory_space<hbm>> -> memref<4096xi32, #tpu.memory_space<hbm>>
      %dma_start3A_11 = tpu.memref_slice %arg3[%mul3A_2] : memref<131072xi32, #tpu.memory_space<hbm>> -> memref<4096xi32, #tpu.memory_space<hbm>>
      tpu.enqueue_dma source(%arg5 : memref<4096xi32, #tpu.memory_space<vmem>>) target(%dma_start3A_11 : memref<4096xi32, #tpu.memory_space<hbm>>) target_semaphore(%run_scoped3A : memref<!tpu.dma_semaphore, #tpu.memory_space<semaphore_mem>>)
      %dma_wait3A = tpu.memref_slice %arg3[%mul3A_2] : memref<131072xi32, #tpu.memory_space<hbm>> -> memref<4096xi32, #tpu.memory_space<hbm>>
      %dma_wait3A_12 = tpu.memref_slice %arg3[%mul3A_2] : memref<131072xi32, #tpu.memory_space<hbm>> -> memref<4096xi32, #tpu.memory_space<hbm>>
      tpu.wait_dma2 semaphore(%run_scoped3A : memref<!tpu.dma_semaphore, #tpu.memory_space<semaphore_mem>>) src(%arg5 : memref<4096xi32, #tpu.memory_space<vmem>>) dst(%dma_wait3A_12 : memref<4096xi32, #tpu.memory_space<hbm>>)
      tpu.yield
    }) : () -> ()
    return
  }
}

module attributes {stable_mosaic.version = 14 : i64} {
  func.func @_apply_body(%arg0: i32, %arg1: memref<1x1x8192xi32, #tpu.memory_space<vmem>>, %arg2: memref<3x75x8192xf32, #tpu.memory_space<vmem>>, %arg3: memref<3x75x8192xf32, #tpu.memory_space<vmem>>) attributes {dimension_semantics = [#tpu.dimension_semantics<arbitrary>], iteration_bounds = array<i64: 16>, scalar_prefetch = 0 : i64, scratch_operands = 0 : i64, tpu.core_type = #tpu.core_type<tc>, window_params = [{transform_indices = @transform_0, window_bounds = array<i64: 1, 1, 8192>}, {transform_indices = @transform_1, window_bounds = array<i64: 3, 75, 8192>}, {transform_indices = @transform_2, window_bounds = array<i64: 3, 75, 8192>}]} {
    %get3A = arith.constant 0 : index
    %get3A_0 = arith.constant 0 : index
    %get3A_1 = arith.constant 0 : index
    %get3A_2 = vector.load %arg1[%get3A, %get3A_0, %get3A_1] : memref<1x1x8192xi32, #tpu.memory_space<vmem>>, vector<1x1x8192xi32>
    %get3A_3 = vector.shape_cast %get3A_2 : vector<1x1x8192xi32> to vector<8192xi32>
    %iota3A = tpu.iota {dimensions = array<i32: 1>} : vector<3x75x8192xi32>
    %ge3A = arith.constant 33 : i32
    %ge3A_4 = vector.broadcast %ge3A : i32 to vector<3x75x8192xi32>
    %ge3A_5 = arith.cmpi sge, %iota3A, %ge3A_4 : vector<3x75x8192xi32>
    %lt3A = arith.constant 54 : i32
    %lt3A_6 = vector.broadcast %lt3A : i32 to vector<3x75x8192xi32>
    %lt3A_7 = arith.cmpi slt, %iota3A, %lt3A_6 : vector<3x75x8192xi32>
    %and3A = arith.andi %ge3A_5, %lt3A_7 : vector<3x75x8192xi1>
    %ne3A = arith.constant 0 : i32
    %ne3A_8 = vector.broadcast %ne3A : i32 to vector<8192xi32>
    %ne3A_9 = arith.cmpi ne, %get3A_3, %ne3A_8 : vector<8192xi32>
    %broadcast_in_dim3A = vector.shape_cast %ne3A_9 : vector<8192xi1> to vector<1x1x8192xi1>
    %and3A_10 = vector.broadcast %broadcast_in_dim3A : vector<1x1x8192xi1> to vector<3x75x8192xi1>
    %and3A_11 = arith.andi %and3A, %and3A_10 : vector<3x75x8192xi1>
    %get3A_12 = arith.constant 0 : index
    %get3A_13 = arith.constant 0 : index
    %get3A_14 = arith.constant 0 : index
    %get3A_15 = vector.load %arg2[%get3A_12, %get3A_13, %get3A_14] : memref<3x75x8192xf32, #tpu.memory_space<vmem>>, vector<3x75x8192xf32>
    %jit3A = arith.constant 0x7FC00000 : f32
    %broadcast_in_dim3A_16 = vector.broadcast %jit3A : f32 to vector<3x75x8192xf32>
    %select_n3A = arith.select %and3A_11, %broadcast_in_dim3A_16, %get3A_15 : vector<3x75x8192xi1>, vector<3x75x8192xf32>
    %swap3A = arith.constant 0 : index
    %swap3A_17 = arith.constant 0 : index
    %swap3A_18 = arith.constant 0 : index
    %swap3A_19 = vector.load %arg3[%swap3A, %swap3A_17, %swap3A_18] : memref<3x75x8192xf32, #tpu.memory_space<vmem>>, vector<3x75x8192xf32>
    tpu.vector_store %arg3[%swap3A, %swap3A_17, %swap3A_18], %select_n3A {strides = array<i32>} : memref<3x75x8192xf32, #tpu.memory_space<vmem>>, vector<3x75x8192xf32>,
    return
  }
  func.func @transform_0(%arg0: i32) -> (i32, i32, i32) {
    %c0_i32 = arith.constant 0 : i32
    %c0_i32_0 = arith.constant 0 : i32
    %c0_i32_1 = arith.constant 0 : i32
    return %arg0, %c0_i32, %c0_i32_0 : i32, i32, i32
  }
  func.func @transform_1(%arg0: i32) -> (i32, i32, i32) {
    %c0_i32 = arith.constant 0 : i32
    %c0_i32_0 = arith.constant 0 : i32
    %c0_i32_1 = arith.constant 0 : i32
    return %c0_i32, %c0_i32_0, %arg0 : i32, i32, i32
  }
  func.func @transform_2(%arg0: i32) -> (i32, i32, i32) {
    %c0_i32 = arith.constant 0 : i32
    %c0_i32_0 = arith.constant 0 : i32
    %c0_i32_1 = arith.constant 0 : i32
    return %c0_i32, %c0_i32_0, %arg0 : i32, i32, i32
  }
}

</mosaic_0001>

<sc_bundles>
// kernel: kernel.4.cloned.1.call-start
scs
__scs_entry_jumppad:
0x0: {  	(pc) =	sbr.rel $0x88, $3  }
0x1: {  	(tag) =	ssettag $0x0;
	lr =	simm.s32 $0x1  }
0x2: {  	[smem:$0x3F9F] =	sst lr;
	_ =	strace $0xD0000000  }
0x3: {  	_ = 	snop  }
0x4: {  	_ = 	snop  }
0x5: {  	_ = 	snop  }
0x6: {  	_ = 	snop  }
0x7: {  	_ = 	snop  }
__scs_overlays_trampoline_lowered:
0x8: {  	[smem:$0x3FAE] =	sst s0  }
0x9: {  	[smem:$0x3FAF] =	sst s1  }
0xa: {  	[smem:$0x3FB0] =	sst s2  }
0xb: {  	[smem:$0x3FB1] =	sst s3  }
0xc: {  	[smem:$0x3FB2] =	sst s4  }
0xd: {  	[smem:$0x3FB3] =	sst s5  }
0xe: {  	[smem:$0x3FB4] =	sst s6  }
0xf: {  	[smem:$0x3FB5] =	sst s7  }
0x10: {  	[smem:$0x3FB6] =	sst s8  }
0x11: {  	[smem:$0x3FB7] =	sst s9;
	s0 =	simm.s32 @!p0 $0x0  }
0x12: {  	s1 =	sld [smem:$0x3F9D];
	s0 =	simm.s32 @p0 $0x1  }
0x13: {  	[smem:$0x3FB8] =	sst s0;
	s0 =	simm.s32 @!p1 $0x0  }
0x14: {  	s2 =	sld [smem:$0x3F9C];
	s0 =	simm.s32 @p1 $0x1  }
0x15: {  	[smem:$0x3FB9] =	sst s0;
	s0 =	simm.s32 @!p2 $0x0  }
0x16: {  	s3 =	sld [smem:$0x3FDB];
	s0 =	simm.s32 @p2 $0x1  }
0x17: {  	s4 =	simm.s32 $0x1BF5;
	[smem:$0x3FBB] =	sst s0  }
0x18: {  	s0 =	sld [smem:$0x3F9E];
	_ =	swait.ge [sflag:s4], $0x0  }
0x19: {  	s7 =	sld [smem:$0x3F9F]  }
0x1a: {  	s8 =	sadd.s32 $0xFFFFE003, lr  }
0x1b: {  	s9 =	sadd.s32 $0xFFFFFEF7, lr;
	s5 =	simm.s32 $0xFFFFFFFF;
	p2 =	slt.u32 s8, $0xFFFFF086  }
0x1c: {  	p1 =	slt.u32 s9, $0xF7A;
	s5 =	simm.s32 @!p2 $0x0  }
0x1d: {  	s5 =	simm.s32 @p1 $0x1;
	p0 =	seq.s32 s7, s2  }
0x1e: {  	s7 =	smul.u32 @!p0 $0xF7A, s2;
	p2 =	seq.s32 @!p0 s5, $0x0  }
0x1f: {  	s9 =	smul.u32 $0xF7A, s1;
	s8 =	simm.s32 @!p0 $0x1BF5;
	p2 =	por !p2, p0  }
0x20: {  	[sflag:s8] =	ssyncset.s32 @!p0 $0xFFFFF086;
	s6 =	sadd.s32 @!p0 s3, s7;
	s7 =	simm.s32 @!p0 $0x108  }
0x21: {  	s3 =	sadd.s32 s3, s9;
	s6 =	sadd.s32 @!p0 $0x88, s6;
	s7 =	simm.s32 @p2 $0x1082  }
0x22: {  	[simem:s7], [sflag:s8] =	dma.local @!p0 [hbm:s6], $0xF7A  }
0x23: {  	s9 =	sor.u32 $0xD0000000, s2;
	s6 =	simm.s32 $0x108;
	_ =	swait.ge @!p0 [sflag:s8], $0x0  }
0x24: {  	s3 =	sadd.s32 $0x88, s3;
	s6 =	simm.s32 @!p1 $0x1082;
	[sflag:s4] =	ssyncset.s32 $0xFFFFF086  }
0x25: {  	[simem:s6], [sflag:s4] =	dma.local [hbm:s3], $0xF7A  }
0x26: {  	[smem:$0x3F9F] =	sst s1;
	(tag) =	ssettag s2;
	_ =	strace s9  }
0x27: {  	s1 =	sld [smem:$0x3FAF]  }
0x28: {  	s2 =	sld [smem:$0x3FB0]  }
0x29: {  	s4 =	sld [smem:$0x3FB2]  }
0x2a: {  	p0 =	seq.s32 s5, $0x0;
	s5 =	sld [smem:$0x3FB3]  }
0x2b: {  	s6 =	sld [smem:$0x3FB4]  }
0x2c: {  	s7 =	sld [smem:$0x3FB5]  }
0x2d: {  	s3 =	simm.s32 $0x108;
	s8 =	sld [smem:$0x3FB6]  }
0x2e: {  	s3 =	simm.s32 @!p0 $0x1082;
	s9 =	sld [smem:$0x3FB7]  }
0x2f: {  	lr =	sadd.s32 s0, s3;
	s0 =	sld [smem:$0x3FAE]  }
0x30: {  	s3 =	sld [smem:$0x3FB1]  }
0x31: {  	[smem:$0x3FBA] =	sst s10  }
0x32: {  	s10 =	sld [smem:$0x3FB8];
	_ =	sdelay $0x3  }
0x33: {  	p0 =	seq.s32 s10, $0x1;
	s10 =	sld [smem:$0x3FBA];
	_ =	sdelay $0x3  }
0x34: {  	[smem:$0x3FBA] =	sst s10  }
0x35: {  	s10 =	sld [smem:$0x3FB9];
	_ =	sdelay $0x3  }
0x36: {  	p1 =	seq.s32 s10, $0x1;
	s10 =	sld [smem:$0x3FBA];
	_ =	sdelay $0x3  }
0x37: {  	[smem:$0x3FBA] =	sst s10  }
0x38: {  	s10 =	sld [smem:$0x3FBB]  }
0x39: {  	_ = 	snop;
	(pc) =	sbr.ind lr, $3  }
0x3a: {  	_ = 	snop  }
0x3b: {  	_ = 	snop  }
0x3c: {  	p2 =	seq.s32 s10, $0x1;
	s10 =	sld [smem:$0x3FBA]  }
0x3d: {  	_ =	shalt  }
0x3e: {  	_ =	shalt  }
0x3f: {  	_ =	shalt  }
0x40: {  	_ =	shalt  }
0x41: {  	_ =	shalt  }
0x42: {  	_ =	shalt  }
0x43: {  	_ =	shalt  }
0x44: {  	_ =	shalt  }
0x45: {  	_ =	shalt  }
0x46: {  	_ =	shalt  }
0x47: {  	_ =	shalt  }
0x48: {  	_ =	shalt  }
0x49: {  	_ =	shalt  }
0x4a: {  	_ =	shalt  }
0x4b: {  	_ =	shalt  }
0x4c: {  	_ =	shalt  }
0x4d: {  	_ =	shalt  }
0x4e: {  	_ =	shalt  }
0x4f: {  	_ =	shalt  }
0x50: {  	_ =	shalt  }
0x51: {  	_ =	shalt  }
0x52: {  	_ =	shalt  }
0x53: {  	_ =	shalt  }
0x54: {  	_ =	shalt  }
0x55: {  	_ =	shalt  }
0x56: {  	_ =	shalt  }
0x57: {  	_ =	shalt  }
0x58: {  	_ =	shalt  }
0x59: {  	_ =	shalt  }
0x5a: {  	_ =	shalt  }
0x5b: {  	_ =	shalt  }
0x5c: {  	_ =	shalt  }
0x5d: {  	_ =	shalt  }
0x5e: {  	_ =	shalt  }
0x5f: {  	_ =	shalt  }
0x60: {  	_ =	shalt  }
0x61: {  	_ =	shalt  }
0x62: {  	_ =	shalt  }
0x63: {  	_ =	shalt  }
0x64: {  	_ =	shalt  }
0x65: {  	_ =	shalt  }
0x66: {  	_ =	shalt  }
0x67: {  	_ =	shalt  }
0x68: {  	_ =	shalt  }
0x69: {  	_ =	shalt  }
0x6a: {  	_ =	shalt  }
0x6b: {  	_ =	shalt  }
0x6c: {  	_ =	shalt  }
0x6d: {  	_ =	shalt  }
0x6e: {  	_ =	shalt  }
0x6f: {  	_ =	shalt  }
0x70: {  	_ =	shalt  }
0x71: {  	_ =	shalt  }
0x72: {  	_ =	shalt  }
0x73: {  	_ =	shalt  }
0x74: {  	_ =	shalt  }
0x75: {  	_ =	shalt  }
0x76: {  	_ =	shalt  }
0x77: {  	_ =	shalt  }
0x78: {  	_ =	shalt  }
0x79: {  	_ =	shalt  }
0x7a: {  	_ =	shalt  }
0x7b: {  	_ =	shalt  }
0x7c: {  	_ =	shalt  }
0x7d: {  	_ =	shalt  }
0x7e: {  	_ =	shalt  }
0x7f: {  	_ =	shalt  }
0x80: {  	_ =	shalt  }
0x81: {  	_ =	shalt  }
0x82: {  	_ =	shalt  }
0x83: {  	_ =	shalt  }
0x84: {  	_ =	shalt  }
0x85: {  	_ =	shalt  }
0x86: {  	_ =	shalt  }
0x87: {  	_ =	shalt  }
.Lfunc_end0:
.L_simem_size_0:
called_computation_lowered:
.L_overlay_start_0:
0x88: {  	s2 =	sld [smem:$0x3FD9]  }
0x89: {  	s3 =	sld [smem:$0x3FFE];
	_ =	sdelay $0x1  }
0x8a: {  	s1 =	srdreg.scid  }
0x8b: {  	s0 =	sand.u32 $0x1, s1  }
0x8c: {  	s17 =	sshll.u32 s0, $0xA;
	s2 =	sadd.s32 s3, s2  }
0x8d: {  	s2 =	sadd.s32 s2, s17  }
0x8e: {  	[smem:$0x3FC6] =	sst s2  }
0x8f: {  	_ = 	snop  }
0x90: {  	s2 =	sld [smem:$0x3FD0];
	(tm) =	ssettm $0x1  }
0x91: {  	s18 =	sld [smem:$0x3FFB];
	_ =	sdelay $0x3  }
0x92: {  	_ =	strace s18  }
0x93: {  	s3 =	sld [smem:$0x3FFC];
	_ =	sdelay $0x3  }
0x94: {  	_ =	strace s3  }
0x95: {  	s3 =	sld [smem:$0x3FFD];
	_ =	sdelay $0x3  }
0x96: {  	_ =	strace s3  }
0x97: {  	_ =	strace $0x8FFFFFFF  }
0x98: {  	s19 =	sld [smem:$0x3FDB];
	_ =	sdelay $0x1  }
0x99: {  	s4 =	simm.s32 $_scs_section_size  }
0x9a: {  	s5 =	simm.s32 $_size__tile_overlayer_lowered;
	s6 =	simm.s32 $_tile_overlayer_lowered  }
0x9b: {  	s22 =	simm.s32 $0x1BFF;
	s21 =	sshll.u32 s6, $0x1;
	s3 =	sadd.s32 s4, s19  }
0x9c: {  	s7 =	simm.s32 $0x0;
	s20 =	sshll.u32 s5, $0x1;
	s5 =	sadd.s32 s21, s3  }
0x9d: {  	[timem:s7], [sflag:s22] =	dma.local [hbm:s5], s20  }
0x9e: {  	_ =	swait.ge [sflag:s22], s20  }
0x9f: {  	s4 =	ssub.s32 $0x0, s20;
	[sflag:s22] =	ssyncset.done $0x0  }
0xa0: {  	[sflag:s22] =	ssyncadd.s32 s4;
	_ =	sdelay $0x1  }
0xa1: {  	s23 =	simm.s32 $0x1B8B  }
0xa2: {  	_ =	swait.ge [sflag:s23], $0x1  }
0xa3: {  	[sflag:s23] =	ssyncset.done $0x0  }
0xa4: {  	s25 =	simm.s32 $0x1B8E;
	s24 =	sld [smem:$0x3FFE];
	[sflag:s23] =	ssyncadd.s32 $0xFFFFFFFF  }
0xa5: {  	s26 =	simm.s32 $execute0_lowered;
	[smem:$0x3FD2] =	sst s25  }
0xa6: {  	s5 =	sshll.u32 s26, $0x1;
	_ =	strace $0x80000046;
	[dreg:$0x1] =	wrdreg $0xFFFFFFFF  }
0xa7: {  	s28 =	simm.s32 $_size_execute0_lowered;
	s3 =	sadd.s32 s3, s5;
	[dreg:$0x0] =	wrdreg $0x0  }
0xa8: {  	s5 =	sshll.u32 s28, $0x1;
	[dreg:$0x2] =	wrdreg s3  }
0xa9: {  	[dreg:$0x3] =	wrdreg s5  }
0xaa: {  	[dreg:$0x4] =	wrdreg $0xC0  }
0xab: {  	_ =	task [dreg:s7], $0x5FFFF  }
0xac: {  	[dreg:$0x1] =	wrdreg $0xFFFFFFFF  }
0xad: {  	[dreg:$0x0] =	wrdreg $0x60  }
0xae: {  	[dreg:$0x2] =	wrdreg s24  }
0xaf: {  	[dreg:$0x3] =	wrdreg s2  }
0xb0: {  	[dreg:$0x4] =	wrdreg $0x9  }
0xb1: {  	_ =	task.clear_ibuf [dreg:s7], $0x5FFFF;
	_ =	strace $0x90000046  }
0xb2: {  	s29 =	simm.s32 $0x9;
	_ =	strace $0x80000048  }
0xb3: {  	_ =	swait.ge [sflag:s29], $0x1  }
0xb4: {  	[sflag:s29] =	ssyncadd.s32 $0xFFFFFFFF  }
0xb5: {  	_ =	strace $0x90000048  }
0xb6: {  	_ =	sfence  }
0xb7: {  	s30 =	sld [smem:$0x0];
	_ =	sdelay $0x2  }
0xb8: {  	s31 =	sshll.u32 s1, $0xD;
	s1 =	sshrl.u32 s1, $0x2  }
0xb9: {  	s3 =	sand.u32 $0x4000, s31;
	s1 =	sadd.s32 s1, s30  }
0xba: {  	s0 =	sor.u32 s3, s0;
	s1 =	sshll.u32 s1, $0x11  }
0xbb: {  	s0 =	sor.u32 s1, s0  }
0xbc: {  	s0 =	sadd.s32 $0x8F2B, s0  }
0xbd: {  	[sflag:s0] =	ssyncadd.remote.s32 $0x1  }
0xbe: {  	_ =	sfence.sel $0xFFFF  }
0xbf: {  	[dreg:$0x0] =	wrdreg $0xFFFFFFFF;
	(pc) =	sbr.abs _section_cstart, $3  }
0xc0: {  	[dreg:$0x1] =	wrdreg $0xFFFFFFFF  }
0xc1: {  	_ =	task.clear_ibuf [dreg:s7], $0x2FFFF;
	_ =	strace $0x9FFFFFFF  }
0xc2: {  	(tm) =	ssettm $0x7FFFFFFF  }
0xc3: {  	_ =	shalt  }
tec
execute0_lowered:
.L_overlay_start_1:
0x0: {  	(tag) =	ssettag $0x1  }
0x1: {  	s3 =	rddreg [dreg:$0x0]  }
0x2: {  	s4 =	rddreg [dreg:$0x1]  }
0x3: {  	s0 =	rddreg [dreg:$0x2];
	s5 =	srdreg.scid  }
0x4: {  	s2 =	simm.s32 $0x0;
	s1 =	stileid.u32;
	s5 =	sand.u32 $0x1, s5  }
0x5: {  	s7 =	sshll.u32 s1, $0xD;
	[smem:$0x7FF] =	sst s2;
	s6 =	ssub.s32 $0x2, s5  }
0x6: {  	s3 =	sadd.s32 $0x600, s3;
	s5 =	sshll.u32 s5, $0xC;
	s8 =	sshrl.u32 s6, $0x1  }
0x7: {  	_ =	strace $0x80000047;
	s7 =	sor.u32 s5, s7;
	s30 =	ssub.s32 s6, s8  }
0x8: {  	s31 =	sshrl.u32 s7, $0x3;
	v0 =	vmov s7;
	s6 =	simm.s32 $0x1;
	s7 =	simm.s32 $0x3400  }
0x9: {  	v1 =	vimm.s32 $0x0;
	v2 =	vimm.s32 $0x1;
	s8 =	simm.s32 $0x0;
	s4 =	sadd.s32 s4, s31;
	s5 =	smax.u32 s30, $0x1  }
.LBB2_1:
0xa: {  	[tilespmem:s2], [sflag:$0x1] =	stream.linear.gather [hbm4b:s3+s2], $0x3400, $0x38;
	[tilespmem:$0x4400] =	vst v63  }
0xb: {  	_ =	swait.ge [sflag:s6], $0x3400  }
0xc: {  	[sflag:s6] =	ssyncset.done $0x0  }
0xd: {  	s10 =	simm.s32 $0x3480;
	[sflag:s6] =	ssyncadd.s32 $0xFFFFCC00  }
0xe: {  	[tilespmem:s10+$0xFFFFFF80] =	vst v1  }
0xf: {  	[tilespmem:s10+$0x70] =	vst v1  }
0x10: {  	[tilespmem:s10+$0x60] =	vst v1  }
0x11: {  	[tilespmem:s10+$0x50] =	vst v1  }
0x12: {  	[tilespmem:s10+$0x40] =	vst v1  }
0x13: {  	[tilespmem:s10+$0x30] =	vst v1  }
0x14: {  	[tilespmem:s10+$0x20] =	vst v1  }
0x15: {  	[tilespmem:s10+$0x10] =	vst v1  }
0x16: {  	[tilespmem:s10+$0x0] =	vst v1  }
0x17: {  	[tilespmem:s10+$0xFFFFFFF0] =	vst v1  }
0x18: {  	[tilespmem:s10+$0xFFFFFFE0] =	vst v1  }
0x19: {  	[tilespmem:s10+$0xFFFFFFD0] =	vst v1  }
0x1a: {  	[tilespmem:s10+$0xFFFFFFC0] =	vst v1  }
0x1b: {  	[tilespmem:s10+$0xFFFFFFB0] =	vst v1  }
0x1c: {  	s11 =	simm.s32 $0x0;
	[tilespmem:s10+$0xFFFFFFA0] =	vst v1  }
.LBB2_2:
0x1d: {  	s11 =	sadd.s32 $0x100, s11;
	[tilespmem:s10+$0xFFFFFF90] =	vst v1;
	s10 =	sadd.s32 $0x100, s10;
	s9 =	simm.s32 $0x80  }
0x1e: {  	[tilespmem:s10+$0xFFFFFF80] =	vst v1;
	p0 =	slt.u32 s11, $0xF00  }
0x1f: {  	[tilespmem:s10+$0x70] =	vst v1  }
0x20: {  	[tilespmem:s10+$0x60] =	vst v1  }
0x21: {  	[tilespmem:s10+$0x50] =	vst v1  }
0x22: {  	[tilespmem:s10+$0x40] =	vst v1  }
0x23: {  	[tilespmem:s10+$0x30] =	vst v1  }
0x24: {  	[tilespmem:s10+$0x20] =	vst v1  }
0x25: {  	[tilespmem:s10+$0x10] =	vst v1  }
0x26: {  	[tilespmem:s10+$0x0] =	vst v1  }
0x27: {  	[tilespmem:s10+$0xFFFFFFF0] =	vst v1  }
.Ltmp0:
0x28: {  	[tilespmem:s10+$0xFFFFFFE0] =	vst v1;
	(pc) =	sbr.rel @p0 .LBB2_2-.Ltmp0, $4  }
0x29: {  	[tilespmem:s10+$0xFFFFFFD0] =	vst v1  }
0x2a: {  	[tilespmem:s10+$0xFFFFFFC0] =	vst v1  }
0x2b: {  	[tilespmem:s10+$0xFFFFFFB0] =	vst v1  }
0x2c: {  	[tilespmem:s10+$0xFFFFFFA0] =	vst v1  }
0x2d: {  	[tilespmem:s10+$0xFFFFFF90] =	vst v1  }
0x2e: {  	v3 =	vld [tilespmem:s9+$0x70]  }
0x2f: {  	v4 =	vld [tilespmem:s9+$0xFFFFFF90]  }
0x30: {  	v5 =	vld [tilespmem:s9+$0xFFFFFFA0]  }
0x31: {  	v6 =	vld [tilespmem:s9+$0xFFFFFFB0]  }
0x32: {  	v7 =	vld [tilespmem:s9+$0xFFFFFFC0]  }
0x33: {  	v8 =	vld [tilespmem:s9+$0xFFFFFFD0]  }
0x34: {  	v10 =	vld [tilespmem:s9+$0xFFFFFFE0]  }
0x35: {  	v13 =	vld [tilespmem:s9+$0x10]  }
0x36: {  	v16 =	vld [tilespmem:s9+$0x20]  }
0x37: {  	v20 =	vld [tilespmem:s9+$0x40]  }
0x38: {  	v22 =	vld [tilespmem:s9+$0x60]  }
0x39: {  	v25 =	vld [tilespmem:s9+$0xFFFFFF80];
	_ =	sdelay $0x1  }
0x3a: {  	v9 =	vsub.s32 v3, v0;
	v3 =	vsub.s32 v4, v0;
	v4 =	vsub.s32 v5, v0  }
0x3b: {  	v5 =	vsub.s32 v6, v0;
	v6 =	vsub.s32 v7, v0;
	v7 =	vsub.s32 v8, v0  }
0x3c: {  	v8 =	vsub.s32 v10, v0;
	v13 =	vsub.s32 v13, v0;
	v17 =	vsub.s32 v16, v0  }
0x3d: {  	v20 =	vsub.s32 v20, v0;
	v22 =	vsub.s32 v22, v0;
	v32 =	vsub.s32 v25, v0  }
0x3e: {  	vm1 =	vgt.s32 v9, $0x0;
	vm0 =	vlt.u32 v9, $0x1000;
	vm13 =	vgt.s32 v3, $0x0  }
0x3f: {  	vm2 =	vgt.s32 v4, $0x0;
	vm3 =	vgt.s32 v5, $0x0;
	vm14 =	vgt.s32 v6, $0x0  }
0x40: {  	v11 =	vld [tilespmem:s9+$0xFFFFFFF0];
	vm15 =	vgt.s32 v7, $0x0;
	vm6 =	vgt.s32 v8, $0x0;
	vm9 =	vgt.s32 v13, $0x0  }
0x41: {  	v12 =	vld [tilespmem:s9+$0x0];
	vm10 =	vgt.s32 v17, $0x0;
	vm12 =	vgt.s32 v20, $0x0;
	v9 =	vnsel vm1, $0x0, v9  }
0x42: {  	v15 =	vnsel vm13, $0x0, v3;
	v19 =	vnsel vm2, $0x0, v4;
	v23 =	vnsel vm3, $0x0, v5  }
0x43: {  	v24 =	vnsel vm14, $0x0, v6;
	v33 =	vnsel vm15, $0x0, v7;
	v34 =	vnsel vm6, $0x0, v8  }
0x44: {  	v35 =	vnsel vm9, $0x0, v13;
	vm14 =	vgt.s32 v22, $0x0;
	v37 =	vnsel vm12, $0x0, v20  }
0x45: {  	v10 =	vld [tilespmem:s9+$0x30];
	vm15 =	vgt.s32 v32, $0x0;
	v14 =	vmin.u32 v9, $0xFFF;
	v9 =	vsub.s32 v11, v0  }
0x46: {  	v11 =	vsub.s32 v12, v0;
	v25 =	vnsel vm15, $0x0, v32;
	v28 =	vmin.u32 v15, $0xFFF  }
0x47: {  	v12 =	vld [tilespmem:s9+$0x50];
	v31 =	vnsel vm14, $0x0, v22;
	v27 =	vmin.u32 v19, $0xFFF;
	v26 =	vmin.u32 v23, $0xFFF  }
0x48: {  	v23 =	vmin.u32 v34, $0xFFF;
	v15 =	vmin.u32 v35, $0xFFF;
	vm7 =	vgt.s32 v9, $0x0  }
0x49: {  	vm8 =	vgt.s32 v11, $0x0;
	v29 =	vmin.u32 v25, $0xFFF;
	v25 =	vmin.u32 v24, $0xFFF  }
0x4a: {  	v24 =	vmin.u32 v33, $0xFFF;
	v16 =	vnsel vm7, $0x0, v9;
	v18 =	vsub.s32 v10, v0  }
0x4b: {  	v10 =	vnsel vm8, $0x0, v11;
	vm11 =	vgt.s32 v18, $0x0;
	v19 =	vmin.u32 v16, $0xFFF  }
0x4c: {  	v16 =	vmin.u32 v10, $0xFFF;
	v10 =	vmin.u32 v37, $0xFFF;
	v21 =	vsub.s32 v12, v0  }
0x4d: {  	v36 =	vnsel vm11, $0x0, v18;
	v12 =	vnsel vm10, $0x0, v17;
	vm13 =	vgt.s32 v21, $0x0  }
0x4e: {  	s10 =	simm.s32 $0x180;
	s9 =	simm.s32 $0x0;
	[tilespmem:v14+s7+$0x0] =	vst.idx.msk vm0, v2;
	v14 =	vmin.u32 v12, $0xFFF;
	v12 =	vmin.u32 v36, $0xFFF;
	v30 =	vnsel vm13, $0x0, v21  }
.LBB2_4:
0x4f: {  	v33 =	vld [tilespmem:s10+$0x70];
	s9 =	sadd.s32 $0x100, s9;
	vm13 =	vlt.u32 v32, $0x1000;
	v30 =	vmin.u32 v30, $0xFFF;
	v31 =	vmin.u32 v31, $0xFFF  }
0x50: {  	vm14 =	vlt.u32 v3, $0x1000;
	vm12 =	vlt.u32 v4, $0x1000;
	vm11 =	vlt.u32 v5, $0x1000;
	v32 =	vld [tilespmem:s10+$0xFFFFFF90];
	p0 =	slt.u32 s9, $0x3300  }
0x51: {  	vm10 =	vlt.u32 v6, $0x1000;
	vm9 =	vlt.u32 v7, $0x1000;
	vm8 =	vlt.u32 v8, $0x1000;
	v4 =	vld [tilespmem:s10+$0xFFFFFFA0]  }
0x52: {  	vm7 =	vlt.u32 v9, $0x1000;
	vm6 =	vlt.u32 v11, $0x1000;
	vm5 =	vlt.u32 v13, $0x1000;
	v5 =	vld [tilespmem:s10+$0xFFFFFFB0]  }
0x53: {  	vm4 =	vlt.u32 v17, $0x1000;
	vm3 =	vlt.u32 v18, $0x1000;
	vm2 =	vlt.u32 v20, $0x1000;
	v6 =	vld [tilespmem:s10+$0xFFFFFFC0]  }
0x54: {  	vm1 =	vlt.u32 v21, $0x1000;
	vm0 =	vlt.u32 v22, $0x1000;
	v7 =	vld [tilespmem:s10+$0xFFFFFFD0];
	v8 =	vsub.s32 v33, v0  }
0x55: {  	v3 =	vsub.s32 v32, v0;
	v9 =	vld [tilespmem:s10+$0xFFFFFFE0];
	vm15 =	vgt.s32 v8, $0x0;
	[tilespmem:v29+s7+$0x0] =	vst.idx.msk vm13, v2  }
0x56: {  	vm13 =	vlt.u32 v8, $0x1000;
	v4 =	vsub.s32 v4, v0;
	v11 =	vld [tilespmem:s10+$0xFFFFFFF0];
	v8 =	vnsel vm15, $0x0, v8;
	[tilespmem:v28+s7+$0x0] =	vst.idx.msk vm14, v2  }
0x57: {  	vm14 =	vgt.s32 v3, $0x0;
	v5 =	vsub.s32 v5, v0;
	v13 =	vld [tilespmem:s10+$0x0];
	v17 =	vmin.u32 v8, $0xFFF;
	[tilespmem:v27+s7+$0x0] =	vst.idx.msk vm12, v2  }
0x58: {  	vm12 =	vgt.s32 v4, $0x0;
	vm15 =	vgt.s32 v5, $0x0;
	v6 =	vsub.s32 v6, v0;
	v18 =	vld [tilespmem:s10+$0x10];
	[tilespmem:v26+s7+$0x0] =	vst.idx.msk vm11, v2  }
0x59: {  	v26 =	vnsel vm14, $0x0, v3;
	vm11 =	vgt.s32 v6, $0x0;
	v7 =	vsub.s32 v7, v0;
	v20 =	vld [tilespmem:s10+$0x20];
	[tilespmem:v25+s7+$0x0] =	vst.idx.msk vm10, v2  }
0x5a: {  	v25 =	vnsel vm12, $0x0, v4;
	vm10 =	vgt.s32 v7, $0x0;
	v8 =	vsub.s32 v9, v0;
	v21 =	vld [tilespmem:s10+$0x30];
	[tilespmem:v24+s7+$0x0] =	vst.idx.msk vm9, v2  }
0x5b: {  	v24 =	vnsel vm15, $0x0, v5;
	vm9 =	vgt.s32 v8, $0x0;
	v9 =	vsub.s32 v11, v0;
	v22 =	vld [tilespmem:s10+$0x40];
	[tilespmem:v23+s7+$0x0] =	vst.idx.msk vm8, v2  }
0x5c: {  	v23 =	vnsel vm11, $0x0, v6;
	vm8 =	vgt.s32 v9, $0x0;
	v11 =	vsub.s32 v13, v0;
	v27 =	vld [tilespmem:s10+$0x50];
	[tilespmem:v17+s7+$0x0] =	vst.idx.msk vm13, v2  }
0x5d: {  	v33 =	vnsel vm10, $0x0, v7;
	vm10 =	vgt.s32 v11, $0x0;
	v13 =	vsub.s32 v18, v0;
	v28 =	vld [tilespmem:s10+$0x60];
	[tilespmem:v19+s7+$0x0] =	vst.idx.msk vm7, v2  }
0x5e: {  	v34 =	vnsel vm9, $0x0, v8;
	v19 =	vld [tilespmem:s10+$0xFFFFFF80];
	vm7 =	vgt.s32 v13, $0x0;
	v17 =	vsub.s32 v20, v0;
	[tilespmem:v16+s7+$0x0] =	vst.idx.msk vm6, v2  }
0x5f: {  	v16 =	vnsel vm8, $0x0, v9;
	vm6 =	vgt.s32 v17, $0x0;
	v18 =	vsub.s32 v21, v0;
	[tilespmem:v15+s7+$0x0] =	vst.idx.msk vm5, v2  }
0x60: {  	v15 =	vnsel vm10, $0x0, v11;
	vm5 =	vgt.s32 v18, $0x0;
	v20 =	vsub.s32 v22, v0;
	[tilespmem:v14+s7+$0x0] =	vst.idx.msk vm4, v2  }
0x61: {  	v14 =	vnsel vm7, $0x0, v13;
	vm4 =	vgt.s32 v20, $0x0;
	v21 =	vsub.s32 v27, v0;
	[tilespmem:v12+s7+$0x0] =	vst.idx.msk vm3, v2  }
0x62: {  	v12 =	vnsel vm6, $0x0, v17;
	vm3 =	vgt.s32 v21, $0x0;
	v22 =	vsub.s32 v28, v0;
	[tilespmem:v10+s7+$0x0] =	vst.idx.msk vm2, v2  }
0x63: {  	v10 =	vnsel vm5, $0x0, v18;
	v32 =	vsub.s32 v19, v0;
	vm2 =	vgt.s32 v22, $0x0;
	[tilespmem:v30+s7+$0x0] =	vst.idx.msk vm1, v2  }
0x64: {  	v35 =	vnsel vm4, $0x0, v20;
	v30 =	vnsel vm3, $0x0, v21;
	vm1 =	vgt.s32 v32, $0x0;
	[tilespmem:v31+s7+$0x0] =	vst.idx.msk vm0, v2  }
.Ltmp1:
0x65: {  	v28 =	vmin.u32 v26, $0xFFF;
	v31 =	vnsel vm2, $0x0, v22;
	v19 =	vnsel vm1, $0x0, v32;
	(pc) =	sbr.rel @p0 .LBB2_4-.Ltmp1, $4  }
0x66: {  	v27 =	vmin.u32 v25, $0xFFF;
	v26 =	vmin.u32 v24, $0xFFF;
	v29 =	vmin.u32 v19, $0xFFF  }
0x67: {  	v25 =	vmin.u32 v23, $0xFFF;
	v23 =	vmin.u32 v34, $0xFFF;
	v24 =	vmin.u32 v33, $0xFFF  }
0x68: {  	v19 =	vmin.u32 v16, $0xFFF;
	v16 =	vmin.u32 v15, $0xFFF;
	v15 =	vmin.u32 v14, $0xFFF  }
0x69: {  	s10 =	sadd.s32 $0x100, s10;
	v14 =	vmin.u32 v12, $0xFFF;
	v12 =	vmin.u32 v10, $0xFFF;
	v10 =	vmin.u32 v35, $0xFFF  }
0x6a: {  	vm0 =	vlt.u32 v32, $0x1000  }
0x6b: {  	vm1 =	vlt.u32 v3, $0x1000  }
0x6c: {  	vm2 =	vlt.u32 v4, $0x1000  }
0x6d: {  	vm3 =	vlt.u32 v5, $0x1000  }
0x6e: {  	vm4 =	vlt.u32 v6, $0x1000  }
0x6f: {  	vm5 =	vlt.u32 v7, $0x1000  }
0x70: {  	vm6 =	vlt.u32 v8, $0x1000;
	[tilespmem:v29+s7+$0x0] =	vst.idx.msk vm0, v2  }
0x71: {  	vm15 =	vlt.u32 v9, $0x1000;
	[tilespmem:v28+s7+$0x0] =	vst.idx.msk vm1, v2  }
0x72: {  	vm9 =	vlt.u32 v11, $0x1000;
	[tilespmem:v27+s7+$0x0] =	vst.idx.msk vm2, v2  }
0x73: {  	vm10 =	vlt.u32 v13, $0x1000;
	[tilespmem:v26+s7+$0x0] =	vst.idx.msk vm3, v2  }
0x74: {  	vm11 =	vlt.u32 v17, $0x1000;
	[tilespmem:v25+s7+$0x0] =	vst.idx.msk vm4, v2  }
0x75: {  	vm12 =	vlt.u32 v18, $0x1000;
	[tilespmem:v24+s7+$0x0] =	vst.idx.msk vm5, v2  }
0x76: {  	vm13 =	vlt.u32 v20, $0x1000;
	[tilespmem:v23+s7+$0x0] =	vst.idx.msk vm6, v2  }
0x77: {  	vm14 =	vlt.u32 v21, $0x1000;
	[tilespmem:v19+s7+$0x0] =	vst.idx.msk vm15, v2  }
0x78: {  	v3 =	vmin.u32 v30, $0xFFF;
	vm15 =	vlt.u32 v22, $0x1000;
	[tilespmem:v16+s7+$0x0] =	vst.idx.msk vm9, v2  }
0x79: {  	v63 =	vmin.u32 v31, $0xFFF;
	[tilespmem:v15+s7+$0x0] =	vst.idx.msk vm10, v2  }
0x7a: {  	[tilespmem:v14+s7+$0x0] =	vst.idx.msk vm11, v2  }
0x7b: {  	[tilespmem:v12+s7+$0x0] =	vst.idx.msk vm12, v2  }
0x7c: {  	s8 =	sadd.s32 $0x1, s8;
	[tilespmem:v10+s7+$0x0] =	vst.idx.msk vm13, v2  }
0x7d: {  	p0 =	sne.s32 s8, s5;
	[tilespmem:v3+s7+$0x0] =	vst.idx.msk vm14, v2  }
.Ltmp2:
0x7e: {  	[tilespmem:v63+s7+$0x0] =	vst.idx.msk vm15, v2;
	(pc) =	sbr.rel @p0 .LBB2_1-.Ltmp2, $4  }
0x7f: {  	[hbm4b:s4+s2] =	stream.linear.scatter [tilespmem:s7], [sflag:$0x1], $0x1000, $0x38;
	[tilespmem:$0x4400] =	vst v63  }
0x80: {  	_ =	swait.ge [sflag:s6], $0x1000  }
0x81: {  	[sflag:s6] =	ssyncset.done $0x0  }
0x82: {  	[sflag:s6] =	ssyncadd.s32 $0xFFFFF000  }
0x83: {  	_ =	sfence.sel $0x180000  }
0x84: {  	[bflag:$0x0] =	sbarrier.arrive $0xFFFF  }
0x85: {  	p0 =	sne.s32 s1, $0x0;
	_ =	strace $0x90000047  }
0x86: {  	s0 =	sadd.s32 @!p0 $0x100000, s0;
	[bflag:$0x2] =	sbarrier.arrive $0xFFFF  }
0x87: {  	[sflag:s0] =	ssyncadd.tile.s32 @!p0 $0x1;
	_ =	shalt  }
.Lfunc_end2:
_tile_overlayer_lowered:
.L_overlay_start_2:
0x88: {  	(tag) =	ssettag $0x2  }
0x89: {  	s0 =	rddreg [dreg:$0x0];
	s2 =	stileid.u32  }
0x8a: {  	s1 =	rddreg [dreg:$0x1];
	p0 =	sne.s32 s2, $0x0  }
0x8b: {  	s3 =	rddreg [dreg:$0x2];
	[bflag:$0x3] =	sbarrier.arrive $0xFFFF;
	s2 =	simm.s32 @!p0 $0x1C01  }
0x8c: {  	[timem:s3], [sflag:s2] =	dma.local @!p0 [hbm:s0], s1  }
0x8d: {  	s0 =	simm.s32 @!p0 $0x1  }
0x8e: {  	_ =	swait.ge @!p0 [sflag:s0], s1  }
0x8f: {  	s1 =	ssub.s32 @!p0 $0x0, s1;
	[sflag:s0] =	ssyncset.done @!p0 $0x0  }
0x90: {  	[sflag:s0] =	ssyncadd.s32 @!p0 s1  }
0x91: {  	[bflag:$0x3] =	sbarrier.arrive $0xFFFF  }
0x92: {  	_ =	shalt  }

</sc_bundles>
